<compile_context>
chip_gen: v7x
topology: tpu7x:2x2x1
jax: 0.10.2.dev20260603
libtpu: 0.0.44.dev20260713+nightly
codegen_flags: <defaults>
</compile_context>

<pallas_src>
import functools

import jax
import jax.numpy as jnp
from jax import lax
from jax.experimental import pallas as pl
from jax.experimental.pallas import tpu as pltpu
from jax.experimental.pallas import tpu_sc as plsc


def _gather_thresholds(pred_flat, target, B, N):
    NC, NS = 2, 16
    NW = NC * NS
    bpw = B // NW
    L = 16
    mesh = plsc.VectorSubcoreMesh(core_axis_name="c", subcore_axis_name="s")

    @functools.partial(
        pl.kernel,
        mesh=mesh,
        out_type=jax.ShapeDtypeStruct((B,), jnp.float32),
        scratch_types=[
            pltpu.VMEM((bpw,), jnp.int32),
            pltpu.VMEM((bpw,), jnp.float32),
            pltpu.SemaphoreType.DMA,
        ],
    )
    def gather(pred_hbm, tgt_hbm, out_hbm, idx_v, t_v, sem):
        wid = lax.axis_index("s") * NC + lax.axis_index("c")
        base = wid * bpw
        pltpu.sync_copy(tgt_hbm.at[pl.ds(base, bpw)], idx_v)
        for j in range(bpw // L):
            tg = idx_v[pl.ds(j * L, L)]
            row = base + j * L + lax.iota(jnp.int32, L)
            idx_v[pl.ds(j * L, L)] = row * N + tg
        pltpu.async_copy(pred_hbm.at[idx_v], t_v, sem).wait()
        pltpu.sync_copy(t_v, out_hbm.at[pl.ds(base, bpw)])

    return gather(pred_flat, target)


def _count_body(pred_hbm, t_ref, g_ref, out1_ref, out5_ref, bufs, sems,
                *, num, rows, nbuf):
    B = num
    N = pred_hbm.shape[1]
    nchunks = B // rows

    def issue(c, b):
        pltpu.make_async_copy(
            pred_hbm.at[pl.ds(c * rows, rows), :], bufs.at[b], sems.at[b]
        ).start()

    for b in range(nbuf):
        issue(b, b)

    def step(c, carry):
        acc1, acc5 = carry
        b = lax.rem(c, nbuf)
        pltpu.make_async_copy(
            pred_hbm.at[pl.ds(c * rows, rows), :], bufs.at[b], sems.at[b]
        ).wait()
        p = bufs[b]
        t = t_ref[pl.ds(c * rows, rows), :]
        g = g_ref[pl.ds(c * rows, rows), :]
        col = lax.broadcasted_iota(jnp.int32, (rows, N), 1)
        ahead = (p > t) | ((p == t) & (col < g))
        rank = jnp.sum(ahead.astype(jnp.float32), axis=1, keepdims=True)
        acc1 += jnp.sum((rank < 1.0).astype(jnp.float32), axis=0, keepdims=True)
        acc5 += jnp.sum((rank < 5.0).astype(jnp.float32), axis=0, keepdims=True)

        nc = c + nbuf

        @pl.when(nc < nchunks)
        def _refill():
            issue(nc, b)

        return acc1, acc5

    z = jnp.zeros((1, 1), jnp.float32)
    acc1, acc5 = lax.fori_loop(0, nchunks, step, (z, z))
    out1_ref[...] = acc1 * (100.0 / num)
    out5_ref[...] = acc5 * (100.0 / num)


def _count(pred, t2, g2, *, rows=8, nbuf=8, interpret=False):
    B, N = pred.shape
    body = functools.partial(_count_body, num=B, rows=rows, nbuf=nbuf)
    return pl.pallas_call(
        body,
        in_specs=[
            pl.BlockSpec(memory_space=pltpu.MemorySpace.HBM),
            pl.BlockSpec((B, 1), lambda: (0, 0)),
            pl.BlockSpec((B, 1), lambda: (0, 0)),
        ],
        out_specs=[
            pl.BlockSpec((1, 1), lambda: (0, 0)),
            pl.BlockSpec((1, 1), lambda: (0, 0)),
        ],
        out_shape=[
            jax.ShapeDtypeStruct((1, 1), jnp.float32),
            jax.ShapeDtypeStruct((1, 1), jnp.float32),
        ],
        scratch_shapes=[
            pltpu.VMEM((nbuf, rows, N), jnp.float32),
            pltpu.SemaphoreType.DMA((nbuf,)),
        ],
        interpret=interpret,
    )(pred, t2, g2)


def kernel(pred, target):
    B, N = pred.shape
    t = _gather_thresholds(pred.reshape(B * N), target, B, N)
    out1, out5 = _count(pred, t.reshape(B, 1), target.reshape(B, 1))
    return (out1.reshape(1), out5.reshape(1))

# --- scband reference (transcript-rebuilt; emitter-appended) ---
"""Pipeline reference for scband-accuracy-12498354832100 (READ-ONLY COPY).

The authoritative reference and input builder live on the scoring server;
editing this copy changes nothing except your own understanding.
"""

import jax, jax.numpy as jnp
import numpy as np

TOPK = (1, 5)

def setup_inputs(seed: int = 0) -> dict:
    key = jax.random.key(seed)
    k1, k2 = jax.random.split(key)
    pred = jax.random.normal(k1, (1024, 100000), dtype=jnp.float32)
    target = jax.random.randint(k2, (1024,), 0, 100000, dtype=jnp.int64 if jax.config.jax_enable_x64 else jnp.int32).astype(jnp.int32)
    return {"pred": pred, "target": target}

def reference(pred, target):
    # Faithful port of accuracy_torch with topk=(1, 5), classwise=False
    topk = TOPK
    maxk = max(topk)
    num = pred.shape[0]
    _, pred_label = jax.lax.top_k(pred, maxk)          # [B, maxk], indices of top-maxk logits
    pred_label_t = pred_label.T                         # [maxk, B] (torch .t())
    correct = pred_label_t == target[None, :].astype(pred_label_t.dtype)  # [maxk, B] bool
    res = []
    for k in topk:
        correct_k = correct[:k].reshape(-1).astype(jnp.float32).sum(keepdims=True)  # [1]
        res.append(correct_k * (100.0 / num))
    return tuple(res)

if __name__ == "__main__":
    import jax
    _d = setup_inputs()
    print(jax.jit(kernel)(*tuple(_d.values())))

</pallas_src>

<mosaic_0001>
#map = affine_map<(d0, d1) -> (0)>
module attributes {stable_mosaic.version = 14 : i64} {
  func.func @gather(%arg0: i32, %arg1: i32, %arg2: memref<102400000xf32, #tpu.memory_space<hbm>>, %arg3: memref<1024xi32, #tpu.memory_space<hbm>>, %arg4: memref<1024xf32, #tpu.memory_space<hbm>>, %arg5: memref<32xi32, #tpu.memory_space<vmem>>, %arg6: memref<32xf32, #tpu.memory_space<vmem>>, %arg7: memref<!tpu.dma_semaphore, #tpu.memory_space<semaphore_mem>>) attributes {dimension_semantics = [#tpu.dimension_semantics<core_parallel>, #tpu.dimension_semantics<subcore_parallel>], iteration_bounds = array<i64: 2, 16>, scalar_prefetch = 0 : i64, scratch_operands = 3 : i64, tpu.core_type = #tpu.core_type<sc_vector_subcore>, window_params = [{transform_indices = #map}, {transform_indices = #map}, {transform_indices = #map}]} {
    %mul3A = arith.constant 2 : i32
    %mul3A_0 = arith.muli %arg1, %mul3A : i32
    %add3A = arith.addi %mul3A_0, %arg0 : i32
    %mul3A_1 = arith.constant 32 : i32
    %mul3A_2 = arith.muli %add3A, %mul3A_1 : i32
    "tpu.region"() ({
      %run_scoped3A = tpu.sem_alloc : memref<!tpu.dma_semaphore, #tpu.memory_space<semaphore_mem>>
      %dma_start3A_34 = tpu.memref_slice %arg3[%mul3A_2] : memref<1024xi32, #tpu.memory_space<hbm>> -> memref<32xi32, #tpu.memory_space<hbm>>
      %dma_start3A_35 = tpu.memref_slice %arg3[%mul3A_2] : memref<1024xi32, #tpu.memory_space<hbm>> -> memref<32xi32, #tpu.memory_space<hbm>>
      tpu.enqueue_dma source(%dma_start3A_35 : memref<32xi32, #tpu.memory_space<hbm>>) target(%arg5 : memref<32xi32, #tpu.memory_space<vmem>>) target_semaphore(%run_scoped3A : memref<!tpu.dma_semaphore, #tpu.memory_space<semaphore_mem>>)
      %dma_wait3A_36 = tpu.memref_slice %arg3[%mul3A_2] : memref<1024xi32, #tpu.memory_space<hbm>> -> memref<32xi32, #tpu.memory_space<hbm>>
      %dma_wait3A_37 = tpu.memref_slice %arg3[%mul3A_2] : memref<1024xi32, #tpu.memory_space<hbm>> -> memref<32xi32, #tpu.memory_space<hbm>>
      tpu.wait_dma2 semaphore(%run_scoped3A : memref<!tpu.dma_semaphore, #tpu.memory_space<semaphore_mem>>) src(%dma_wait3A_37 : memref<32xi32, #tpu.memory_space<hbm>>) dst(%arg5 : memref<32xi32, #tpu.memory_space<vmem>>)
      tpu.yield
    }) : () -> ()
    %get3A = arith.constant 0 : index
    %get3A_3 = tpu.vector_load %arg5[%get3A] {strides = array<i32>} : memref<32xi32, #tpu.memory_space<vmem>>, vector<16xi32>,
    %get3A_4 = vector.shape_cast %get3A_3 : vector<16xi32> to vector<16xi32>
    %add3A_5 = arith.constant 0 : i32
    %add3A_6 = arith.addi %mul3A_2, %add3A_5 : i32
    %iota3A = tpu.iota {dimensions = array<i32: 0>} : vector<16xi32>
    %add3A_7 = vector.broadcast %add3A_6 : i32 to vector<16xi32>
    %add3A_8 = arith.addi %add3A_7, %iota3A : vector<16xi32>
    %mul3A_9 = arith.constant 100000 : i32
    %mul3A_10 = vector.broadcast %mul3A_9 : i32 to vector<16xi32>
    %mul3A_11 = arith.muli %add3A_8, %mul3A_10 : vector<16xi32>
    %add3A_12 = arith.addi %mul3A_11, %get3A_4 : vector<16xi32>
    %swap3A = arith.constant 0 : index
    %swap3A_13 = tpu.vector_load %arg5[%swap3A] {strides = array<i32>} : memref<32xi32, #tpu.memory_space<vmem>>, vector<16xi32>,
    %swap3A_14 = vector.shape_cast %swap3A_13 : vector<16xi32> to vector<16xi32>
    %swap3A_15 = vector.shape_cast %add3A_12 : vector<16xi32> to vector<16xi32>
    tpu.vector_store %arg5[%swap3A], %swap3A_15 {strides = array<i32>} : memref<32xi32, #tpu.memory_space<vmem>>, vector<16xi32>,
    %get3A_16 = arith.constant 16 : index
    %get3A_17 = tpu.vector_load %arg5[%get3A_16] {strides = array<i32>} : memref<32xi32, #tpu.memory_space<vmem>>, vector<16xi32>,
    %get3A_18 = vector.shape_cast %get3A_17 : vector<16xi32> to vector<16xi32>
    %add3A_19 = arith.constant 16 : i32
    %add3A_20 = arith.addi %mul3A_2, %add3A_19 : i32
    %iota3A_21 = tpu.iota {dimensions = array<i32: 0>} : vector<16xi32>
    %add3A_22 = vector.broadcast %add3A_20 : i32 to vector<16xi32>
    %add3A_23 = arith.addi %add3A_22, %iota3A_21 : vector<16xi32>
    %mul3A_24 = arith.constant 100000 : i32
    %mul3A_25 = vector.broadcast %mul3A_24 : i32 to vector<16xi32>
    %mul3A_26 = arith.muli %add3A_23, %mul3A_25 : vector<16xi32>
    %add3A_27 = arith.addi %mul3A_26, %get3A_18 : vector<16xi32>
    %swap3A_28 = arith.constant 16 : index
    %swap3A_29 = tpu.vector_load %arg5[%swap3A_28] {strides = array<i32>} : memref<32xi32, #tpu.memory_space<vmem>>, vector<16xi32>,
    %swap3A_30 = vector.shape_cast %swap3A_29 : vector<16xi32> to vector<16xi32>
    %swap3A_31 = vector.shape_cast %add3A_27 : vector<16xi32> to vector<16xi32>
    tpu.vector_store %arg5[%swap3A_28], %swap3A_31 {strides = array<i32>} : memref<32xi32, #tpu.memory_space<vmem>>, vector<16xi32>,
    %dma_start3A = arith.constant 0 : i32
    %dma_start3A_32 = tpu.memref_slice %arg2[%dma_start3A] : memref<102400000xf32, #tpu.memory_space<hbm>> -> memref<102400000xf32, #tpu.memory_space<hbm>>
    tpu.enqueue_indirect_dma source(%dma_start3A_32 : memref<102400000xf32, #tpu.memory_space<hbm>>) target(%arg6 : memref<32xf32, #tpu.memory_space<vmem>>) offsets(%arg5 : memref<32xi32, #tpu.memory_space<vmem>>) semaphore(%arg7 : memref<!tpu.dma_semaphore, #tpu.memory_space<semaphore_mem>>)
    %dma_wait3A = arith.constant 0 : i32
    %dma_wait3A_33 = tpu.memref_slice %arg2[%dma_wait3A] : memref<102400000xf32, #tpu.memory_space<hbm>> -> memref<102400000xf32, #tpu.memory_space<hbm>>
    tpu.wait_indirect_dma semaphore(%arg7 : memref<!tpu.dma_semaphore, #tpu.memory_space<semaphore_mem>>) src(%dma_wait3A_33 : memref<102400000xf32, #tpu.memory_space<hbm>>) dst(%arg6 : memref<32xf32, #tpu.memory_space<vmem>>)
    "tpu.region"() ({
      %run_scoped3A = tpu.sem_alloc : memref<!tpu.dma_semaphore, #tpu.memory_space<semaphore_mem>>
      %dma_start3A_34 = tpu.memref_slice %arg4[%mul3A_2] : memref<1024xf32, #tpu.memory_space<hbm>> -> memref<32xf32, #tpu.memory_space<hbm>>
      %dma_start3A_35 = tpu.memref_slice %arg4[%mul3A_2] : memref<1024xf32, #tpu.memory_space<hbm>> -> memref<32xf32, #tpu.memory_space<hbm>>
      tpu.enqueue_dma source(%arg6 : memref<32xf32, #tpu.memory_space<vmem>>) target(%dma_start3A_35 : memref<32xf32, #tpu.memory_space<hbm>>) target_semaphore(%run_scoped3A : memref<!tpu.dma_semaphore, #tpu.memory_space<semaphore_mem>>)
      %dma_wait3A_36 = tpu.memref_slice %arg4[%mul3A_2] : memref<1024xf32, #tpu.memory_space<hbm>> -> memref<32xf32, #tpu.memory_space<hbm>>
      %dma_wait3A_37 = tpu.memref_slice %arg4[%mul3A_2] : memref<1024xf32, #tpu.memory_space<hbm>> -> memref<32xf32, #tpu.memory_space<hbm>>
      tpu.wait_dma2 semaphore(%run_scoped3A : memref<!tpu.dma_semaphore, #tpu.memory_space<semaphore_mem>>) src(%arg6 : memref<32xf32, #tpu.memory_space<vmem>>) dst(%dma_wait3A_37 : memref<32xf32, #tpu.memory_space<hbm>>)
      tpu.yield
    }) : () -> ()
    return
  }
}

module attributes {stable_mosaic.version = 14 : i64} {
  func.func @_count_body(%arg0: memref<1024x100000xf32, #tpu.memory_space<hbm>>, %arg1: memref<1024x1xf32, #tpu.memory_space<vmem>>, %arg2: memref<1024x1xi32, #tpu.memory_space<vmem>>, %arg3: memref<1x1xf32, #tpu.memory_space<vmem>>, %arg4: memref<1x1xf32, #tpu.memory_space<vmem>>, %arg5: memref<8x8x100000xf32, #tpu.memory_space<vmem>>, %arg6: memref<8x!tpu.dma_semaphore, #tpu.memory_space<semaphore_mem>>) attributes {dimension_semantics = [], scalar_prefetch = 0 : i64, scratch_operands = 2 : i64, tpu.core_type = #tpu.core_type<tc>} {
    %dma_start3A = arith.constant 0 : i32
    %dma_start3A_0 = arith.constant 0 : i32
    %dma_start3A_1 = tpu.memref_slice %arg6[%dma_start3A_0] : memref<8x!tpu.dma_semaphore, #tpu.memory_space<semaphore_mem>> -> memref<1x!tpu.dma_semaphore, #tpu.memory_space<semaphore_mem>>
    %dma_start3A_2 = tpu.memref_squeeze %dma_start3A_1 : memref<1x!tpu.dma_semaphore, #tpu.memory_space<semaphore_mem>> -> memref<!tpu.dma_semaphore, #tpu.memory_space<semaphore_mem>>
    %dma_start3A_3 = arith.constant 0 : i32
    %dma_start3A_4 = arith.constant 0 : i32
    %dma_start3A_5 = tpu.memref_slice %arg5[%dma_start3A, %dma_start3A_3, %dma_start3A_4] : memref<8x8x100000xf32, #tpu.memory_space<vmem>> -> memref<1x8x100000xf32, #tpu.memory_space<vmem>>
    %dma_start3A_6 = tpu.memref_squeeze %dma_start3A_5 : memref<1x8x100000xf32, #tpu.memory_space<vmem>> -> memref<8x100000xf32, #tpu.memory_space<vmem>>
    %dma_start3A_7 = arith.constant 0 : i32
    %dma_start3A_8 = arith.constant 0 : i32
    %dma_start3A_9 = tpu.memref_slice %arg0[%dma_start3A_7, %dma_start3A_8] : memref<1024x100000xf32, #tpu.memory_space<hbm>> -> memref<8x100000xf32, #tpu.memory_space<hbm>>
    tpu.enqueue_dma source(%dma_start3A_9 : memref<8x100000xf32, #tpu.memory_space<hbm>>) target(%dma_start3A_6 : memref<8x100000xf32, #tpu.memory_space<vmem>>) target_semaphore(%dma_start3A_2 : memref<!tpu.dma_semaphore, #tpu.memory_space<semaphore_mem>>)
    %dma_start3A_10 = arith.constant 1 : i32
    %dma_start3A_11 = arith.constant 1 : i32
    %dma_start3A_12 = tpu.memref_slice %arg6[%dma_start3A_11] : memref<8x!tpu.dma_semaphore, #tpu.memory_space<semaphore_mem>> -> memref<1x!tpu.dma_semaphore, #tpu.memory_space<semaphore_mem>>
    %dma_start3A_13 = tpu.memref_squeeze %dma_start3A_12 : memref<1x!tpu.dma_semaphore, #tpu.memory_space<semaphore_mem>> -> memref<!tpu.dma_semaphore, #tpu.memory_space<semaphore_mem>>
    %dma_start3A_14 = arith.constant 0 : i32
    %dma_start3A_15 = arith.constant 0 : i32
    %dma_start3A_16 = tpu.memref_slice %arg5[%dma_start3A_10, %dma_start3A_14, %dma_start3A_15] : memref<8x8x100000xf32, #tpu.memory_space<vmem>> -> memref<1x8x100000xf32, #tpu.memory_space<vmem>>
    %dma_start3A_17 = tpu.memref_squeeze %dma_start3A_16 : memref<1x8x100000xf32, #tpu.memory_space<vmem>> -> memref<8x100000xf32, #tpu.memory_space<vmem>>
    %dma_start3A_18 = arith.constant 8 : i32
    %dma_start3A_19 = arith.constant 0 : i32
    %dma_start3A_20 = tpu.memref_slice %arg0[%dma_start3A_18, %dma_start3A_19] : memref<1024x100000xf32, #tpu.memory_space<hbm>> -> memref<8x100000xf32, #tpu.memory_space<hbm>>
    tpu.enqueue_dma source(%dma_start3A_20 : memref<8x100000xf32, #tpu.memory_space<hbm>>) target(%dma_start3A_17 : memref<8x100000xf32, #tpu.memory_space<vmem>>) target_semaphore(%dma_start3A_13 : memref<!tpu.dma_semaphore, #tpu.memory_space<semaphore_mem>>)
    %dma_start3A_21 = arith.constant 2 : i32
    %dma_start3A_22 = arith.constant 2 : i32
    %dma_start3A_23 = tpu.memref_slice %arg6[%dma_start3A_22] : memref<8x!tpu.dma_semaphore, #tpu.memory_space<semaphore_mem>> -> memref<1x!tpu.dma_semaphore, #tpu.memory_space<semaphore_mem>>
    %dma_start3A_24 = tpu.memref_squeeze %dma_start3A_23 : memref<1x!tpu.dma_semaphore, #tpu.memory_space<semaphore_mem>> -> memref<!tpu.dma_semaphore, #tpu.memory_space<semaphore_mem>>
    %dma_start3A_25 = arith.constant 0 : i32
    %dma_start3A_26 = arith.constant 0 : i32
    %dma_start3A_27 = tpu.memref_slice %arg5[%dma_start3A_21, %dma_start3A_25, %dma_start3A_26] : memref<8x8x100000xf32, #tpu.memory_space<vmem>> -> memref<1x8x100000xf32, #tpu.memory_space<vmem>>
    %dma_start3A_28 = tpu.memref_squeeze %dma_start3A_27 : memref<1x8x100000xf32, #tpu.memory_space<vmem>> -> memref<8x100000xf32, #tpu.memory_space<vmem>>
    %dma_start3A_29 = arith.constant 16 : i32
    %dma_start3A_30 = arith.constant 0 : i32
    %dma_start3A_31 = tpu.memref_slice %arg0[%dma_start3A_29, %dma_start3A_30] : memref<1024x100000xf32, #tpu.memory_space<hbm>> -> memref<8x100000xf32, #tpu.memory_space<hbm>>
    tpu.enqueue_dma source(%dma_start3A_31 : memref<8x100000xf32, #tpu.memory_space<hbm>>) target(%dma_start3A_28 : memref<8x100000xf32, #tpu.memory_space<vmem>>) target_semaphore(%dma_start3A_24 : memref<!tpu.dma_semaphore, #tpu.memory_space<semaphore_mem>>)
    %dma_start3A_32 = arith.constant 3 : i32
    %dma_start3A_33 = arith.constant 3 : i32
    %dma_start3A_34 = tpu.memref_slice %arg6[%dma_start3A_33] : memref<8x!tpu.dma_semaphore, #tpu.memory_space<semaphore_mem>> -> memref<1x!tpu.dma_semaphore, #tpu.memory_space<semaphore_mem>>
    %dma_start3A_35 = tpu.memref_squeeze %dma_start3A_34 : memref<1x!tpu.dma_semaphore, #tpu.memory_space<semaphore_mem>> -> memref<!tpu.dma_semaphore, #tpu.memory_space<semaphore_mem>>
    %dma_start3A_36 = arith.constant 0 : i32
    %dma_start3A_37 = arith.constant 0 : i32
    %dma_start3A_38 = tpu.memref_slice %arg5[%dma_start3A_32, %dma_start3A_36, %dma_start3A_37] : memref<8x8x100000xf32, #tpu.memory_space<vmem>> -> memref<1x8x100000xf32, #tpu.memory_space<vmem>>
    %dma_start3A_39 = tpu.memref_squeeze %dma_start3A_38 : memref<1x8x100000xf32, #tpu.memory_space<vmem>> -> memref<8x100000xf32, #tpu.memory_space<vmem>>
    %dma_start3A_40 = arith.constant 24 : i32
    %dma_start3A_41 = arith.constant 0 : i32
    %dma_start3A_42 = tpu.memref_slice %arg0[%dma_start3A_40, %dma_start3A_41] : memref<1024x100000xf32, #tpu.memory_space<hbm>> -> memref<8x100000xf32, #tpu.memory_space<hbm>>
    tpu.enqueue_dma source(%dma_start3A_42 : memref<8x100000xf32, #tpu.memory_space<hbm>>) target(%dma_start3A_39 : memref<8x100000xf32, #tpu.memory_space<vmem>>) target_semaphore(%dma_start3A_35 : memref<!tpu.dma_semaphore, #tpu.memory_space<semaphore_mem>>)
    %dma_start3A_43 = arith.constant 4 : i32
    %dma_start3A_44 = arith.constant 4 : i32
    %dma_start3A_45 = tpu.memref_slice %arg6[%dma_start3A_44] : memref<8x!tpu.dma_semaphore, #tpu.memory_space<semaphore_mem>> -> memref<1x!tpu.dma_semaphore, #tpu.memory_space<semaphore_mem>>
    %dma_start3A_46 = tpu.memref_squeeze %dma_start3A_45 : memref<1x!tpu.dma_semaphore, #tpu.memory_space<semaphore_mem>> -> memref<!tpu.dma_semaphore, #tpu.memory_space<semaphore_mem>>
    %dma_start3A_47 = arith.constant 0 : i32
    %dma_start3A_48 = arith.constant 0 : i32
    %dma_start3A_49 = tpu.memref_slice %arg5[%dma_start3A_43, %dma_start3A_47, %dma_start3A_48] : memref<8x8x100000xf32, #tpu.memory_space<vmem>> -> memref<1x8x100000xf32, #tpu.memory_space<vmem>>
    %dma_start3A_50 = tpu.memref_squeeze %dma_start3A_49 : memref<1x8x100000xf32, #tpu.memory_space<vmem>> -> memref<8x100000xf32, #tpu.memory_space<vmem>>
    %dma_start3A_51 = arith.constant 32 : i32
    %dma_start3A_52 = arith.constant 0 : i32
    %dma_start3A_53 = tpu.memref_slice %arg0[%dma_start3A_51, %dma_start3A_52] : memref<1024x100000xf32, #tpu.memory_space<hbm>> -> memref<8x100000xf32, #tpu.memory_space<hbm>>
    tpu.enqueue_dma source(%dma_start3A_53 : memref<8x100000xf32, #tpu.memory_space<hbm>>) target(%dma_start3A_50 : memref<8x100000xf32, #tpu.memory_space<vmem>>) target_semaphore(%dma_start3A_46 : memref<!tpu.dma_semaphore, #tpu.memory_space<semaphore_mem>>)
    %dma_start3A_54 = arith.constant 5 : i32
    %dma_start3A_55 = arith.constant 5 : i32
    %dma_start3A_56 = tpu.memref_slice %arg6[%dma_start3A_55] : memref<8x!tpu.dma_semaphore, #tpu.memory_space<semaphore_mem>> -> memref<1x!tpu.dma_semaphore, #tpu.memory_space<semaphore_mem>>
    %dma_start3A_57 = tpu.memref_squeeze %dma_start3A_56 : memref<1x!tpu.dma_semaphore, #tpu.memory_space<semaphore_mem>> -> memref<!tpu.dma_semaphore, #tpu.memory_space<semaphore_mem>>
    %dma_start3A_58 = arith.constant 0 : i32
    %dma_start3A_59 = arith.constant 0 : i32
    %dma_start3A_60 = tpu.memref_slice %arg5[%dma_start3A_54, %dma_start3A_58, %dma_start3A_59] : memref<8x8x100000xf32, #tpu.memory_space<vmem>> -> memref<1x8x100000xf32, #tpu.memory_space<vmem>>
    %dma_start3A_61 = tpu.memref_squeeze %dma_start3A_60 : memref<1x8x100000xf32, #tpu.memory_space<vmem>> -> memref<8x100000xf32, #tpu.memory_space<vmem>>
    %dma_start3A_62 = arith.constant 40 : i32
    %dma_start3A_63 = arith.constant 0 : i32
    %dma_start3A_64 = tpu.memref_slice %arg0[%dma_start3A_62, %dma_start3A_63] : memref<1024x100000xf32, #tpu.memory_space<hbm>> -> memref<8x100000xf32, #tpu.memory_space<hbm>>
    tpu.enqueue_dma source(%dma_start3A_64 : memref<8x100000xf32, #tpu.memory_space<hbm>>) target(%dma_start3A_61 : memref<8x100000xf32, #tpu.memory_space<vmem>>) target_semaphore(%dma_start3A_57 : memref<!tpu.dma_semaphore, #tpu.memory_space<semaphore_mem>>)
    %dma_start3A_65 = arith.constant 6 : i32
    %dma_start3A_66 = arith.constant 6 : i32
    %dma_start3A_67 = tpu.memref_slice %arg6[%dma_start3A_66] : memref<8x!tpu.dma_semaphore, #tpu.memory_space<semaphore_mem>> -> memref<1x!tpu.dma_semaphore, #tpu.memory_space<semaphore_mem>>
    %dma_start3A_68 = tpu.memref_squeeze %dma_start3A_67 : memref<1x!tpu.dma_semaphore, #tpu.memory_space<semaphore_mem>> -> memref<!tpu.dma_semaphore, #tpu.memory_space<semaphore_mem>>
    %dma_start3A_69 = arith.constant 0 : i32
    %dma_start3A_70 = arith.constant 0 : i32
    %dma_start3A_71 = tpu.memref_slice %arg5[%dma_start3A_65, %dma_start3A_69, %dma_start3A_70] : memref<8x8x100000xf32, #tpu.memory_space<vmem>> -> memref<1x8x100000xf32, #tpu.memory_space<vmem>>
    %dma_start3A_72 = tpu.memref_squeeze %dma_start3A_71 : memref<1x8x100000xf32, #tpu.memory_space<vmem>> -> memref<8x100000xf32, #tpu.memory_space<vmem>>
    %dma_start3A_73 = arith.constant 48 : i32
    %dma_start3A_74 = arith.constant 0 : i32
    %dma_start3A_75 = tpu.memref_slice %arg0[%dma_start3A_73, %dma_start3A_74] : memref<1024x100000xf32, #tpu.memory_space<hbm>> -> memref<8x100000xf32, #tpu.memory_space<hbm>>
    tpu.enqueue_dma source(%dma_start3A_75 : memref<8x100000xf32, #tpu.memory_space<hbm>>) target(%dma_start3A_72 : memref<8x100000xf32, #tpu.memory_space<vmem>>) target_semaphore(%dma_start3A_68 : memref<!tpu.dma_semaphore, #tpu.memory_space<semaphore_mem>>)
    %dma_start3A_76 = arith.constant 7 : i32
    %dma_start3A_77 = arith.constant 7 : i32
    %dma_start3A_78 = tpu.memref_slice %arg6[%dma_start3A_77] : memref<8x!tpu.dma_semaphore, #tpu.memory_space<semaphore_mem>> -> memref<1x!tpu.dma_semaphore, #tpu.memory_space<semaphore_mem>>
    %dma_start3A_79 = tpu.memref_squeeze %dma_start3A_78 : memref<1x!tpu.dma_semaphore, #tpu.memory_space<semaphore_mem>> -> memref<!tpu.dma_semaphore, #tpu.memory_space<semaphore_mem>>
    %dma_start3A_80 = arith.constant 0 : i32
    %dma_start3A_81 = arith.constant 0 : i32
    %dma_start3A_82 = tpu.memref_slice %arg5[%dma_start3A_76, %dma_start3A_80, %dma_start3A_81] : memref<8x8x100000xf32, #tpu.memory_space<vmem>> -> memref<1x8x100000xf32, #tpu.memory_space<vmem>>
    %dma_start3A_83 = tpu.memref_squeeze %dma_start3A_82 : memref<1x8x100000xf32, #tpu.memory_space<vmem>> -> memref<8x100000xf32, #tpu.memory_space<vmem>>
    %dma_start3A_84 = arith.constant 56 : i32
    %dma_start3A_85 = arith.constant 0 : i32
    %dma_start3A_86 = tpu.memref_slice %arg0[%dma_start3A_84, %dma_start3A_85] : memref<1024x100000xf32, #tpu.memory_space<hbm>> -> memref<8x100000xf32, #tpu.memory_space<hbm>>
    tpu.enqueue_dma source(%dma_start3A_86 : memref<8x100000xf32, #tpu.memory_space<hbm>>) target(%dma_start3A_83 : memref<8x100000xf32, #tpu.memory_space<vmem>>) target_semaphore(%dma_start3A_79 : memref<!tpu.dma_semaphore, #tpu.memory_space<semaphore_mem>>)
    %broadcast_in_dim3A = arith.constant 0.000000e+00 : f32
    %broadcast_in_dim3A_87 = vector.broadcast %broadcast_in_dim3A : f32 to vector<1x1xf32>
    %scan3A = arith.constant 0 : i32
    %scan3A_88 = arith.constant 128 : i32
    %scan3A_89 = arith.addi %scan3A, %scan3A_88 : i32
    %scan3A_90 = arith.constant 1 : i32
    %scan3A_91:2 = scf.for %scan3A_103 = %scan3A to %scan3A_89 step %scan3A_90 iter_args(%scan3A_104 = %broadcast_in_dim3A_87, %scan3A_105 = %broadcast_in_dim3A_87) -> (vector<1x1xf32>, vector<1x1xf32>)  : i32 {
      %rem3A = arith.constant 8 : i32
      %rem3A_106 = arith.remsi %scan3A_103, %rem3A : i32
      %mul3A_107 = arith.constant 8 : i32
      %mul3A_108 = arith.muli %scan3A_103, %mul3A_107 : i32
      %dma_wait3A = tpu.memref_slice %arg6[%rem3A_106] : memref<8x!tpu.dma_semaphore, #tpu.memory_space<semaphore_mem>> -> memref<1x!tpu.dma_semaphore, #tpu.memory_space<semaphore_mem>>
      %dma_wait3A_109 = tpu.memref_squeeze %dma_wait3A : memref<1x!tpu.dma_semaphore, #tpu.memory_space<semaphore_mem>> -> memref<!tpu.dma_semaphore, #tpu.memory_space<semaphore_mem>>
      %dma_wait3A_110 = arith.constant 0 : i32
      %dma_wait3A_111 = arith.constant 0 : i32
      %dma_wait3A_112 = tpu.memref_slice %arg5[%rem3A_106, %dma_wait3A_110, %dma_wait3A_111] : memref<8x8x100000xf32, #tpu.memory_space<vmem>> -> memref<1x8x100000xf32, #tpu.memory_space<vmem>>
      %dma_wait3A_113 = tpu.memref_squeeze %dma_wait3A_112 : memref<1x8x100000xf32, #tpu.memory_space<vmem>> -> memref<8x100000xf32, #tpu.memory_space<vmem>>
      %dma_wait3A_114 = arith.constant 0 : i32
      %dma_wait3A_115 = tpu.memref_slice %arg0[%mul3A_108, %dma_wait3A_114] : memref<1024x100000xf32, #tpu.memory_space<hbm>> -> memref<8x100000xf32, #tpu.memory_space<hbm>>
      tpu.wait_dma2 semaphore(%dma_wait3A_109 : memref<!tpu.dma_semaphore, #tpu.memory_space<semaphore_mem>>) src(%dma_wait3A_115 : memref<8x100000xf32, #tpu.memory_space<hbm>>) dst(%dma_wait3A_113 : memref<8x100000xf32, #tpu.memory_space<vmem>>)
      %get3A = arith.index_cast %rem3A_106 : i32 to index
      %get3A_116 = arith.constant 0 : index
      %get3A_117 = arith.constant 0 : index
      %get3A_118 = vector.load %arg5[%get3A, %get3A_116, %get3A_117] : memref<8x8x100000xf32, #tpu.memory_space<vmem>>, vector<1x8x100000xf32>
      %get3A_119 = vector.shape_cast %get3A_118 : vector<1x8x100000xf32> to vector<8x100000xf32>
      %mul3A_120 = arith.constant 8 : i32
      %mul3A_121 = arith.muli %scan3A_103, %mul3A_120 : i32
      %get3A_122 = arith.index_cast %mul3A_121 : i32 to index
      %get3A_123 = arith.constant 0 : index
      %get3A_124 = vector.load %arg1[%get3A_122, %get3A_123] : memref<1024x1xf32, #tpu.memory_space<vmem>>, vector<8x1xf32>
      %mul3A_125 = arith.constant 8 : i32
      %mul3A_126 = arith.muli %scan3A_103, %mul3A_125 : i32
      %get3A_127 = arith.index_cast %mul3A_126 : i32 to index
      %get3A_128 = arith.constant 0 : index
      %get3A_129 = vector.load %arg2[%get3A_127, %get3A_128] : memref<1024x1xi32, #tpu.memory_space<vmem>>, vector<8x1xi32>
      %iota3A = tpu.iota {dimensions = array<i32: 1>} : vector<8x100000xi32>
      %gt3A = vector.broadcast %get3A_124 : vector<8x1xf32> to vector<8x100000xf32>
      %gt3A_130 = arith.cmpf ogt, %get3A_119, %gt3A : vector<8x100000xf32>
      %eq3A = vector.broadcast %get3A_124 : vector<8x1xf32> to vector<8x100000xf32>
      %eq3A_131 = arith.cmpf oeq, %get3A_119, %eq3A : vector<8x100000xf32>
      %lt3A = vector.broadcast %get3A_129 : vector<8x1xi32> to vector<8x100000xi32>
      %lt3A_132 = arith.cmpi slt, %iota3A, %lt3A : vector<8x100000xi32>
      %and3A = arith.andi %eq3A_131, %lt3A_132 : vector<8x100000xi1>
      %or3A = arith.ori %gt3A_130, %and3A : vector<8x100000xi1>
      %convert_element_type3A = arith.extui %or3A : vector<8x100000xi1> to vector<8x100000xi32>
      %convert_element_type3A_133 = arith.sitofp %convert_element_type3A : vector<8x100000xi32> to vector<8x100000xf32>
      %reduce_sum3A = arith.constant dense<0.000000e+00> : vector<8xf32>
      %reduce_sum3A_134 = vector.multi_reduction <add>, %convert_element_type3A_133, %reduce_sum3A [1] : vector<8x100000xf32> to vector<8xf32>
      %broadcast_in_dim3A_135 = vector.shape_cast %reduce_sum3A_134 : vector<8xf32> to vector<8x1xf32>
      %lt3A_136 = arith.constant 1.000000e+00 : f32
      %lt3A_137 = vector.broadcast %lt3A_136 : f32 to vector<8x1xf32>
      %lt3A_138 = arith.cmpf olt, %broadcast_in_dim3A_135, %lt3A_137 : vector<8x1xf32>
      %convert_element_type3A_139 = arith.extui %lt3A_138 : vector<8x1xi1> to vector<8x1xi32>
      %convert_element_type3A_140 = arith.sitofp %convert_element_type3A_139 : vector<8x1xi32> to vector<8x1xf32>
      %reduce_sum3A_141 = arith.constant dense<0.000000e+00> : vector<1xf32>
      %reduce_sum3A_142 = vector.multi_reduction <add>, %convert_element_type3A_140, %reduce_sum3A_141 [0] : vector<8x1xf32> to vector<1xf32>
      %broadcast_in_dim3A_143 = vector.shape_cast %reduce_sum3A_142 : vector<1xf32> to vector<1x1xf32>
      %add3A = arith.addf %scan3A_104, %broadcast_in_dim3A_143 : vector<1x1xf32>
      %lt3A_144 = arith.constant 5.000000e+00 : f32
      %lt3A_145 = vector.broadcast %lt3A_144 : f32 to vector<8x1xf32>
      %lt3A_146 = arith.cmpf olt, %broadcast_in_dim3A_135, %lt3A_145 : vector<8x1xf32>
      %convert_element_type3A_147 = arith.extui %lt3A_146 : vector<8x1xi1> to vector<8x1xi32>
      %convert_element_type3A_148 = arith.sitofp %convert_element_type3A_147 : vector<8x1xi32> to vector<8x1xf32>
      %reduce_sum3A_149 = arith.constant dense<0.000000e+00> : vector<1xf32>
      %reduce_sum3A_150 = vector.multi_reduction <add>, %convert_element_type3A_148, %reduce_sum3A_149 [0] : vector<8x1xf32> to vector<1xf32>
      %broadcast_in_dim3A_151 = vector.shape_cast %reduce_sum3A_150 : vector<1xf32> to vector<1x1xf32>
      %add3A_152 = arith.addf %scan3A_105, %broadcast_in_dim3A_151 : vector<1x1xf32>
      %add3A_153 = arith.constant 8 : i32
      %add3A_154 = arith.addi %scan3A_103, %add3A_153 : i32
      %lt3A_155 = arith.constant 128 : i32
      %lt3A_156 = arith.cmpi slt, %add3A_154, %lt3A_155 : i32
      %convert_element_type3A_157 = arith.extui %lt3A_156 : i1 to i32
      %cond3A = arith.constant 0 : i32
      %cond3A_158 = arith.cmpi ne, %convert_element_type3A_157, %cond3A : i32
      scf.if %cond3A_158 {
        %mul3A_159 = arith.constant 8 : i32
        %mul3A_160 = arith.muli %add3A_154, %mul3A_159 : i32
        %dma_start3A_161 = tpu.memref_slice %arg6[%rem3A_106] : memref<8x!tpu.dma_semaphore, #tpu.memory_space<semaphore_mem>> -> memref<1x!tpu.dma_semaphore, #tpu.memory_space<semaphore_mem>>
        %dma_start3A_162 = tpu.memref_squeeze %dma_start3A_161 : memref<1x!tpu.dma_semaphore, #tpu.memory_space<semaphore_mem>> -> memref<!tpu.dma_semaphore, #tpu.memory_space<semaphore_mem>>
        %dma_start3A_163 = arith.constant 0 : i32
        %dma_start3A_164 = arith.constant 0 : i32
        %dma_start3A_165 = tpu.memref_slice %arg5[%rem3A_106, %dma_start3A_163, %dma_start3A_164] : memref<8x8x100000xf32, #tpu.memory_space<vmem>> -> memref<1x8x100000xf32, #tpu.memory_space<vmem>>
        %dma_start3A_166 = tpu.memref_squeeze %dma_start3A_165 : memref<1x8x100000xf32, #tpu.memory_space<vmem>> -> memref<8x100000xf32, #tpu.memory_space<vmem>>
        %dma_start3A_167 = arith.constant 0 : i32
        %dma_start3A_168 = tpu.memref_slice %arg0[%mul3A_160, %dma_start3A_167] : memref<1024x100000xf32, #tpu.memory_space<hbm>> -> memref<8x100000xf32, #tpu.memory_space<hbm>>
        tpu.enqueue_dma source(%dma_start3A_168 : memref<8x100000xf32, #tpu.memory_space<hbm>>) target(%dma_start3A_166 : memref<8x100000xf32, #tpu.memory_space<vmem>>) target_semaphore(%dma_start3A_162 : memref<!tpu.dma_semaphore, #tpu.memory_space<semaphore_mem>>)
      } else {
      }
      scf.yield %add3A, %add3A_152 : vector<1x1xf32>, vector<1x1xf32>
    }
    %scan3A_92 = arith.constant 128 : i32
    %mul3A = arith.constant 0.09765625 : f32
    %mul3A_93 = vector.broadcast %mul3A : f32 to vector<1x1xf32>
    %mul3A_94 = arith.mulf %scan3A_91#0, %mul3A_93 : vector<1x1xf32>
    %swap3A = arith.constant 0 : index
    %swap3A_95 = arith.constant 0 : index
    %swap3A_96 = vector.load %arg3[%swap3A, %swap3A_95] : memref<1x1xf32, #tpu.memory_space<vmem>>, vector<1x1xf32>
    tpu.vector_store %arg3[%swap3A, %swap3A_95], %mul3A_94 {strides = array<i32>} : memref<1x1xf32, #tpu.memory_space<vmem>>, vector<1x1xf32>,
    %mul3A_97 = arith.constant 0.09765625 : f32
    %mul3A_98 = vector.broadcast %mul3A_97 : f32 to vector<1x1xf32>
    %mul3A_99 = arith.mulf %scan3A_91#1, %mul3A_98 : vector<1x1xf32>
    %swap3A_100 = arith.constant 0 : index
    %swap3A_101 = arith.constant 0 : index
    %swap3A_102 = vector.load %arg4[%swap3A_100, %swap3A_101] : memref<1x1xf32, #tpu.memory_space<vmem>>, vector<1x1xf32>
    tpu.vector_store %arg4[%swap3A_100, %swap3A_101], %mul3A_99 {strides = array<i32>} : memref<1x1xf32, #tpu.memory_space<vmem>>, vector<1x1xf32>,
    return
  }
}

</mosaic_0001>

<sc_bundles>
// kernel: kernel.4.cloned.1.call-start
scs
__scs_entry_jumppad:
0x0: {  	(pc) =	sbr.rel $0x88, $3  }
0x1: {  	(tag) =	ssettag $0x0;
	lr =	simm.s32 $0x1  }
0x2: {  	[smem:$0x3F9F] =	sst lr;
	_ =	strace $0xD0000000  }
0x3: {  	_ = 	snop  }
0x4: {  	_ = 	snop  }
0x5: {  	_ = 	snop  }
0x6: {  	_ = 	snop  }
0x7: {  	_ = 	snop  }
__scs_overlays_trampoline_lowered:
0x8: {  	[smem:$0x3FAE] =	sst s0  }
0x9: {  	[smem:$0x3FAF] =	sst s1  }
0xa: {  	[smem:$0x3FB0] =	sst s2  }
0xb: {  	[smem:$0x3FB1] =	sst s3  }
0xc: {  	[smem:$0x3FB2] =	sst s4  }
0xd: {  	[smem:$0x3FB3] =	sst s5  }
0xe: {  	[smem:$0x3FB4] =	sst s6  }
0xf: {  	[smem:$0x3FB5] =	sst s7  }
0x10: {  	[smem:$0x3FB6] =	sst s8  }
0x11: {  	[smem:$0x3FB7] =	sst s9;
	s0 =	simm.s32 @!p0 $0x0  }
0x12: {  	s1 =	sld [smem:$0x3F9D];
	s0 =	simm.s32 @p0 $0x1  }
0x13: {  	[smem:$0x3FB8] =	sst s0;
	s0 =	simm.s32 @!p1 $0x0  }
0x14: {  	s2 =	sld [smem:$0x3F9C];
	s0 =	simm.s32 @p1 $0x1  }
0x15: {  	[smem:$0x3FB9] =	sst s0;
	s0 =	simm.s32 @!p2 $0x0  }
0x16: {  	s3 =	sld [smem:$0x3FDB];
	s0 =	simm.s32 @p2 $0x1  }
0x17: {  	s4 =	simm.s32 $0x1BF5;
	[smem:$0x3FBB] =	sst s0  }
0x18: {  	s0 =	sld [smem:$0x3F9E];
	_ =	swait.ge [sflag:s4], $0x0  }
0x19: {  	s7 =	sld [smem:$0x3F9F]  }
0x1a: {  	s8 =	sadd.s32 $0xFFFFE003, lr  }
0x1b: {  	s9 =	sadd.s32 $0xFFFFFEF7, lr;
	s5 =	simm.s32 $0xFFFFFFFF;
	p2 =	slt.u32 s8, $0xFFFFF086  }
0x1c: {  	p1 =	slt.u32 s9, $0xF7A;
	s5 =	simm.s32 @!p2 $0x0  }
0x1d: {  	s5 =	simm.s32 @p1 $0x1;
	p0 =	seq.s32 s7, s2  }
0x1e: {  	s7 =	smul.u32 @!p0 $0xF7A, s2;
	p2 =	seq.s32 @!p0 s5, $0x0  }
0x1f: {  	s9 =	smul.u32 $0xF7A, s1;
	s8 =	simm.s32 @!p0 $0x1BF5;
	p2 =	por !p2, p0  }
0x20: {  	[sflag:s8] =	ssyncset.s32 @!p0 $0xFFFFF086;
	s6 =	sadd.s32 @!p0 s3, s7;
	s7 =	simm.s32 @!p0 $0x108  }
0x21: {  	s3 =	sadd.s32 s3, s9;
	s6 =	sadd.s32 @!p0 $0x88, s6;
	s7 =	simm.s32 @p2 $0x1082  }
0x22: {  	[simem:s7], [sflag:s8] =	dma.local @!p0 [hbm:s6], $0xF7A  }
0x23: {  	s9 =	sor.u32 $0xD0000000, s2;
	s6 =	simm.s32 $0x108;
	_ =	swait.ge @!p0 [sflag:s8], $0x0  }
0x24: {  	s3 =	sadd.s32 $0x88, s3;
	s6 =	simm.s32 @!p1 $0x1082;
	[sflag:s4] =	ssyncset.s32 $0xFFFFF086  }
0x25: {  	[simem:s6], [sflag:s4] =	dma.local [hbm:s3], $0xF7A  }
0x26: {  	[smem:$0x3F9F] =	sst s1;
	(tag) =	ssettag s2;
	_ =	strace s9  }
0x27: {  	s1 =	sld [smem:$0x3FAF]  }
0x28: {  	s2 =	sld [smem:$0x3FB0]  }
0x29: {  	s4 =	sld [smem:$0x3FB2]  }
0x2a: {  	p0 =	seq.s32 s5, $0x0;
	s5 =	sld [smem:$0x3FB3]  }
0x2b: {  	s6 =	sld [smem:$0x3FB4]  }
0x2c: {  	s7 =	sld [smem:$0x3FB5]  }
0x2d: {  	s3 =	simm.s32 $0x108;
	s8 =	sld [smem:$0x3FB6]  }
0x2e: {  	s3 =	simm.s32 @!p0 $0x1082;
	s9 =	sld [smem:$0x3FB7]  }
0x2f: {  	lr =	sadd.s32 s0, s3;
	s0 =	sld [smem:$0x3FAE]  }
0x30: {  	s3 =	sld [smem:$0x3FB1]  }
0x31: {  	[smem:$0x3FBA] =	sst s10  }
0x32: {  	s10 =	sld [smem:$0x3FB8];
	_ =	sdelay $0x3  }
0x33: {  	p0 =	seq.s32 s10, $0x1;
	s10 =	sld [smem:$0x3FBA];
	_ =	sdelay $0x3  }
0x34: {  	[smem:$0x3FBA] =	sst s10  }
0x35: {  	s10 =	sld [smem:$0x3FB9];
	_ =	sdelay $0x3  }
0x36: {  	p1 =	seq.s32 s10, $0x1;
	s10 =	sld [smem:$0x3FBA];
	_ =	sdelay $0x3  }
0x37: {  	[smem:$0x3FBA] =	sst s10  }
0x38: {  	s10 =	sld [smem:$0x3FBB]  }
0x39: {  	_ = 	snop;
	(pc) =	sbr.ind lr, $3  }
0x3a: {  	_ = 	snop  }
0x3b: {  	_ = 	snop  }
0x3c: {  	p2 =	seq.s32 s10, $0x1;
	s10 =	sld [smem:$0x3FBA]  }
0x3d: {  	_ =	shalt  }
0x3e: {  	_ =	shalt  }
0x3f: {  	_ =	shalt  }
0x40: {  	_ =	shalt  }
0x41: {  	_ =	shalt  }
0x42: {  	_ =	shalt  }
0x43: {  	_ =	shalt  }
0x44: {  	_ =	shalt  }
0x45: {  	_ =	shalt  }
0x46: {  	_ =	shalt  }
0x47: {  	_ =	shalt  }
0x48: {  	_ =	shalt  }
0x49: {  	_ =	shalt  }
0x4a: {  	_ =	shalt  }
0x4b: {  	_ =	shalt  }
0x4c: {  	_ =	shalt  }
0x4d: {  	_ =	shalt  }
0x4e: {  	_ =	shalt  }
0x4f: {  	_ =	shalt  }
0x50: {  	_ =	shalt  }
0x51: {  	_ =	shalt  }
0x52: {  	_ =	shalt  }
0x53: {  	_ =	shalt  }
0x54: {  	_ =	shalt  }
0x55: {  	_ =	shalt  }
0x56: {  	_ =	shalt  }
0x57: {  	_ =	shalt  }
0x58: {  	_ =	shalt  }
0x59: {  	_ =	shalt  }
0x5a: {  	_ =	shalt  }
0x5b: {  	_ =	shalt  }
0x5c: {  	_ =	shalt  }
0x5d: {  	_ =	shalt  }
0x5e: {  	_ =	shalt  }
0x5f: {  	_ =	shalt  }
0x60: {  	_ =	shalt  }
0x61: {  	_ =	shalt  }
0x62: {  	_ =	shalt  }
0x63: {  	_ =	shalt  }
0x64: {  	_ =	shalt  }
0x65: {  	_ =	shalt  }
0x66: {  	_ =	shalt  }
0x67: {  	_ =	shalt  }
0x68: {  	_ =	shalt  }
0x69: {  	_ =	shalt  }
0x6a: {  	_ =	shalt  }
0x6b: {  	_ =	shalt  }
0x6c: {  	_ =	shalt  }
0x6d: {  	_ =	shalt  }
0x6e: {  	_ =	shalt  }
0x6f: {  	_ =	shalt  }
0x70: {  	_ =	shalt  }
0x71: {  	_ =	shalt  }
0x72: {  	_ =	shalt  }
0x73: {  	_ =	shalt  }
0x74: {  	_ =	shalt  }
0x75: {  	_ =	shalt  }
0x76: {  	_ =	shalt  }
0x77: {  	_ =	shalt  }
0x78: {  	_ =	shalt  }
0x79: {  	_ =	shalt  }
0x7a: {  	_ =	shalt  }
0x7b: {  	_ =	shalt  }
0x7c: {  	_ =	shalt  }
0x7d: {  	_ =	shalt  }
0x7e: {  	_ =	shalt  }
0x7f: {  	_ =	shalt  }
0x80: {  	_ =	shalt  }
0x81: {  	_ =	shalt  }
0x82: {  	_ =	shalt  }
0x83: {  	_ =	shalt  }
0x84: {  	_ =	shalt  }
0x85: {  	_ =	shalt  }
0x86: {  	_ =	shalt  }
0x87: {  	_ =	shalt  }
.Lfunc_end0:
.L_simem_size_0:
called_computation_lowered:
.L_overlay_start_0:
0x88: {  	s2 =	sld [smem:$0x3FD9]  }
0x89: {  	s3 =	sld [smem:$0x3FFE];
	_ =	sdelay $0x1  }
0x8a: {  	s1 =	srdreg.scid  }
0x8b: {  	s0 =	sand.u32 $0x1, s1  }
0x8c: {  	s17 =	sshll.u32 s0, $0xA;
	s2 =	sadd.s32 s3, s2  }
0x8d: {  	s2 =	sadd.s32 s2, s17  }
0x8e: {  	[smem:$0x3FC6] =	sst s2  }
0x8f: {  	_ = 	snop  }
0x90: {  	s2 =	sld [smem:$0x3FC8];
	(tm) =	ssettm $0x1  }
0x91: {  	s18 =	sld [smem:$0x3FFB];
	_ =	sdelay $0x3  }
0x92: {  	_ =	strace s18  }
0x93: {  	s3 =	sld [smem:$0x3FFC];
	_ =	sdelay $0x3  }
0x94: {  	_ =	strace s3  }
0x95: {  	s3 =	sld [smem:$0x3FFD];
	_ =	sdelay $0x3  }
0x96: {  	_ =	strace s3  }
0x97: {  	_ =	strace $0x8FFFFFFF  }
0x98: {  	s19 =	sld [smem:$0x3FDB];
	_ =	sdelay $0x1  }
0x99: {  	s4 =	simm.s32 $_scs_section_size  }
0x9a: {  	s5 =	simm.s32 $_size__tile_overlayer_lowered;
	s6 =	simm.s32 $_tile_overlayer_lowered  }
0x9b: {  	s22 =	simm.s32 $0x1BFF;
	s21 =	sshll.u32 s6, $0x1;
	s3 =	sadd.s32 s4, s19  }
0x9c: {  	s7 =	simm.s32 $0x0;
	s20 =	sshll.u32 s5, $0x1;
	s5 =	sadd.s32 s21, s3  }
0x9d: {  	[timem:s7], [sflag:s22] =	dma.local [hbm:s5], s20  }
0x9e: {  	_ =	swait.ge [sflag:s22], s20  }
0x9f: {  	s4 =	ssub.s32 $0x0, s20;
	[sflag:s22] =	ssyncset.done $0x0  }
0xa0: {  	[sflag:s22] =	ssyncadd.s32 s4;
	_ =	sdelay $0x1  }
0xa1: {  	s23 =	simm.s32 $0x1B8B  }
0xa2: {  	_ =	swait.ge [sflag:s23], $0x1  }
0xa3: {  	[sflag:s23] =	ssyncset.done $0x0  }
0xa4: {  	s25 =	simm.s32 $0x1B8E;
	s24 =	sld [smem:$0x3FFE];
	[sflag:s23] =	ssyncadd.s32 $0xFFFFFFFF  }
0xa5: {  	s26 =	simm.s32 $execute0_lowered;
	[smem:$0x3FD2] =	sst s25  }
0xa6: {  	s5 =	sshll.u32 s26, $0x1;
	_ =	strace $0x80000046;
	[dreg:$0x1] =	wrdreg $0xFFFFFFFF  }
0xa7: {  	s28 =	simm.s32 $_size_execute0_lowered;
	s3 =	sadd.s32 s3, s5;
	[dreg:$0x0] =	wrdreg $0x0  }
0xa8: {  	s5 =	sshll.u32 s28, $0x1;
	[dreg:$0x2] =	wrdreg s3  }
0xa9: {  	[dreg:$0x3] =	wrdreg s5  }
0xaa: {  	[dreg:$0x4] =	wrdreg $0xC0  }
0xab: {  	_ =	task [dreg:s7], $0x5FFFF  }
0xac: {  	[dreg:$0x1] =	wrdreg $0xFFFFFFFF  }
0xad: {  	[dreg:$0x0] =	wrdreg $0x60  }
0xae: {  	[dreg:$0x2] =	wrdreg s24  }
0xaf: {  	[dreg:$0x3] =	wrdreg s2  }
0xb0: {  	[dreg:$0x4] =	wrdreg $0x9  }
0xb1: {  	_ =	task.clear_ibuf [dreg:s7], $0x5FFFF;
	_ =	strace $0x90000046  }
0xb2: {  	s29 =	simm.s32 $0x9;
	_ =	strace $0x80000048  }
0xb3: {  	_ =	swait.ge [sflag:s29], $0x1  }
0xb4: {  	[sflag:s29] =	ssyncadd.s32 $0xFFFFFFFF  }
0xb5: {  	_ =	strace $0x90000048  }
0xb6: {  	_ =	sfence  }
0xb7: {  	s30 =	sld [smem:$0x0];
	_ =	sdelay $0x2  }
0xb8: {  	s31 =	sshll.u32 s1, $0xD;
	s1 =	sshrl.u32 s1, $0x2  }
0xb9: {  	s3 =	sand.u32 $0x4000, s31;
	s1 =	sadd.s32 s1, s30  }
0xba: {  	s0 =	sor.u32 s3, s0;
	s1 =	sshll.u32 s1, $0x11  }
0xbb: {  	s0 =	sor.u32 s1, s0  }
0xbc: {  	s0 =	sadd.s32 $0x8F2B, s0  }
0xbd: {  	[sflag:s0] =	ssyncadd.remote.s32 $0x1  }
0xbe: {  	_ =	sfence.sel $0xFFFF  }
0xbf: {  	[dreg:$0x0] =	wrdreg $0xFFFFFFFF;
	(pc) =	sbr.abs _section_cstart, $3  }
0xc0: {  	[dreg:$0x1] =	wrdreg $0xFFFFFFFF  }
0xc1: {  	_ =	task.clear_ibuf [dreg:s7], $0x2FFFF;
	_ =	strace $0x9FFFFFFF  }
0xc2: {  	(tm) =	ssettm $0x7FFFFFFF  }
0xc3: {  	_ =	shalt  }
tec
execute0_lowered:
.L_overlay_start_1:
0x0: {  	(tag) =	ssettag $0x1  }
0x1: {  	s1 =	srdreg.scid  }
0x2: {  	s9 =	rddreg [dreg:$0x0];
	s0 =	stileid.u32;
	s6 =	sand.u32 $0x1, s1  }
0x3: {  	s3 =	rddreg [dreg:$0x1];
	s4 =	sshll.u32 s0, $0x6;
	s5 =	sshll.u32 s6, $0x5  }
0x4: {  	s2 =	simm.s32 $0x0;
	s1 =	rddreg [dreg:$0x2];
	s5 =	sor.u32 s5, s4  }
0x5: {  	[smem:$0x7FF] =	sst s2;
	s10 =	sshrl.u32 s5, $0x3  }
0x6: {  	_ =	strace $0x80000047;
	s4 =	sadd.s32 s3, s10;
	s3 =	simm.s32 $0x2  }
0x7: {  	[tilespmem:s2], [sflag:$0x2] =	stream.linear.gather [hbm4b:s4+s2], $0x20, $0x38;
	[tilespmem:$0x100] =	vst v63  }
0x8: {  	_ =	swait.ge [sflag:s3], $0x20  }
0x9: {  	[sflag:s3] =	ssyncset.done $0x0  }
0xa: {  	v0 =	vmov s5;
	s5 =	sor.u32 $0x10, s5;
	[sflag:s3] =	ssyncadd.s32 $0xFFFFFFE0  }
0xb: {  	v0 =	vmul.u32 $0x186A0, v0;
	v1 =	vmov s5;
	v2 =	vld [tilespmem:$0x0]  }
0xc: {  	v3 =	vlaneseq.u32;
	v1 =	vmul.u32 $0x186A0, v1;
	v4 =	vld [tilespmem:$0x10]  }
0xd: {  	v3 =	vmul.u32 $0x186A0, v3;
	v0 =	vbroadcast v0, $0x0  }
0xe: {  	s11 =	ssub.s32 $0x2, s6;
	v1 =	vbroadcast v1, $0x0  }
0xf: {  	s12 =	sshrl.u32 s11, $0x1;
	v0 =	vadd.s32 v3, v0  }
0x10: {  	s7 =	simm.s32 $0x80;
	s31 =	ssub.s32 s11, s12;
	v1 =	vadd.s32 v3, v1;
	v2 =	vadd.s32 v2, v0  }
0x11: {  	s5 =	sadd.s32 $0xC38800, s9;
	s9 =	sadd.s32 s10, s9;
	s10 =	smax.u32 s31, $0x1;
	[tilespmem:$0x0] =	vst v2;
	v2 =	vadd.s32 v4, v1  }
0x12: {  	s8 =	simm.s32 $0x1;
	s6 =	simm.s32 $0x20;
	p0 =	sne.s32 s10, $0x1;
	[tilespmem:$0x10] =	vst v2  }
0x13: {  	[tilespmem:s7], [sflag:$0x1] =	stream.indirect.gather [hbm4b:s5+s6], $0x1, s2, s6, $0xb8;
	[tilespmem:$0x100] =	vst v63  }
.Ltmp0:
0x14: {  	_ =	swait.ge [sflag:s8], $0x20;
	(pc) =	sbr.rel @!p0 .LBB2_2-.Ltmp0, $4  }
0x15: {  	[sflag:s8] =	ssyncset.done $0x0  }
0x16: {  	s9 =	sadd.s32 $0x186D800, s9;
	[sflag:s8] =	ssyncadd.s32 $0xFFFFFFE0  }
0x17: {  	[hbm4b:s9+s2] =	stream.linear.scatter [tilespmem:s7], [sflag:$0x2], $0x20, $0x38;
	[tilespmem:$0x100] =	vst v63  }
0x18: {  	s10 =	sadd.s32 $0xFFFFFFFF, s10;
	_ =	swait.ge [sflag:s3], $0x20  }
.LBB2_1:
0x19: {  	p0 =	sne.s32 s10, $0x1;
	s10 =	sadd.s32 $0xFFFFFFFF, s10;
	[sflag:s3] =	ssyncset.done $0x0  }
0x1a: {  	[sflag:s3] =	ssyncadd.s32 $0xFFFFFFE0  }
0x1b: {  	[tilespmem:s2], [sflag:$0x2] =	stream.linear.gather [hbm4b:s4+s2], $0x20, $0x38;
	[tilespmem:$0x100] =	vst v63  }
0x1c: {  	_ =	swait.ge [sflag:s3], $0x20  }
0x1d: {  	[sflag:s3] =	ssyncset.done $0x0  }
0x1e: {  	[sflag:s3] =	ssyncadd.s32 $0xFFFFFFE0  }
0x1f: {  	v2 =	vld [tilespmem:$0x0]  }
0x20: {  	v3 =	vld [tilespmem:$0x10];
	_ =	sdelay $0x3  }
0x21: {  	v2 =	vadd.s32 v2, v0  }
0x22: {  	[tilespmem:$0x0] =	vst v2;
	v2 =	vadd.s32 v3, v1  }
0x23: {  	[tilespmem:$0x10] =	vst v2  }
0x24: {  	[tilespmem:s7], [sflag:$0x1] =	stream.indirect.gather [hbm4b:s5+s6], $0x1, s2, s6, $0xb8;
	[tilespmem:$0x100] =	vst v63  }
.Ltmp1:
0x25: {  	_ =	swait.ge [sflag:s8], $0x20;
	(pc) =	sbr.rel @p0 .LBB2_1-.Ltmp1, $4  }
0x26: {  	[sflag:s8] =	ssyncset.done $0x0  }
0x27: {  	[sflag:s8] =	ssyncadd.s32 $0xFFFFFFE0  }
0x28: {  	[hbm4b:s9+s2] =	stream.linear.scatter [tilespmem:s7], [sflag:$0x2], $0x20, $0x38;
	[tilespmem:$0x100] =	vst v63  }
0x29: {  	_ =	swait.ge [sflag:s3], $0x20  }
.LBB2_2:
0x2a: {  	[sflag:s3] =	ssyncset.done $0x0  }
0x2b: {  	[sflag:s3] =	ssyncadd.s32 $0xFFFFFFE0  }
0x2c: {  	_ =	sfence.sel $0x180000  }
0x2d: {  	[bflag:$0x0] =	sbarrier.arrive $0xFFFF  }
0x2e: {  	p0 =	sne.s32 s0, $0x0;
	_ =	strace $0x90000047  }
0x2f: {  	s0 =	sadd.s32 @!p0 $0x100000, s1;
	[bflag:$0x2] =	sbarrier.arrive $0xFFFF  }
0x30: {  	[sflag:s0] =	ssyncadd.tile.s32 @!p0 $0x1;
	_ =	shalt  }
.Lfunc_end2:
_tile_overlayer_lowered:
.L_overlay_start_2:
0x31: {  	(tag) =	ssettag $0x2  }
0x32: {  	s0 =	rddreg [dreg:$0x0];
	s2 =	stileid.u32  }
0x33: {  	s1 =	rddreg [dreg:$0x1];
	p0 =	sne.s32 s2, $0x0  }
0x34: {  	s3 =	rddreg [dreg:$0x2];
	[bflag:$0x3] =	sbarrier.arrive $0xFFFF;
	s2 =	simm.s32 @!p0 $0x1C02  }
0x35: {  	[timem:s3], [sflag:s2] =	dma.local @!p0 [hbm:s0], s1  }
0x36: {  	s0 =	simm.s32 @!p0 $0x2  }
0x37: {  	_ =	swait.ge @!p0 [sflag:s0], s1  }
0x38: {  	s1 =	ssub.s32 @!p0 $0x0, s1;
	[sflag:s0] =	ssyncset.done @!p0 $0x0  }
0x39: {  	[sflag:s0] =	ssyncadd.s32 @!p0 s1  }
0x3a: {  	[bflag:$0x3] =	sbarrier.arrive $0xFFFF  }
0x3b: {  	_ =	shalt  }

</sc_bundles>
